<compile_context>
chip_gen: v7x
topology: tpu7x:2x2x1
jax: 0.10.2.dev20260603
libtpu: 0.0.44.dev20260713+nightly
codegen_flags: <defaults>
</compile_context>

<pallas_src>
import functools

import jax
import jax.numpy as jnp
from jax import lax
from jax.experimental import pallas as pl
from jax.experimental.pallas import tpu as pltpu
from jax.experimental.pallas import tpu_sc as plsc

M = 16384
B = 1024
H = 256

_NC = 2
_NS = 16
_NW = _NC * _NS


def _gather_body(ent_hbm, idx_hbm, out_hbm, idx_v, rows_v, sem):
    wid = lax.axis_index("s") * _NC + lax.axis_index("c")
    rpw = B // _NW
    base = wid * rpw
    pltpu.sync_copy(idx_hbm.at[pl.ds(base, rpw)], idx_v)
    pltpu.async_copy(ent_hbm.at[idx_v], rows_v, sem).wait()
    pltpu.sync_copy(rows_v, out_hbm.at[pl.ds(base, rpw)])


_sc_gather = functools.partial(
    pl.kernel,
    out_type=jax.ShapeDtypeStruct((B, H), jnp.float32),
    mesh=plsc.VectorSubcoreMesh(core_axis_name="c", subcore_axis_name="s"),
    scratch_types=[
        pltpu.VMEM((B // _NW,), jnp.int32),
        pltpu.VMEM((B // _NW, H), jnp.float32),
        pltpu.SemaphoreType.DMA,
    ],
)(_gather_body)


def _update_body(e_ref, h_ref, t_ref, wd_ref, wdb_ref, we_ref, idxr_ref,
                 idxc_ref, upd_ref, tfin_ref, hw_ref, mt_ref):
    e = e_ref[...]
    h = h_ref[...]
    eW = jnp.dot(e, wd_ref[...], preferred_element_type=jnp.float32)
    logit = jnp.sum(eW * h, axis=1, keepdims=True) + wdb_ref[0, 0]
    delta = jax.nn.sigmoid(logit)
    u = delta * e + (1.0 - delta) * h
    u = u * lax.rsqrt(jnp.sum(u * u, axis=1, keepdims=True))
    eqm = idxc_ref[...] == idxr_ref[...]
    jcol = lax.broadcasted_iota(jnp.int32, (B, B), 1)
    winner = jnp.max(jnp.where(eqm, jcol, -1), axis=1, keepdims=True)
    P = (jcol == winner).astype(jnp.float32)
    upd_ref[...] = jnp.dot(P, u, preferred_element_type=jnp.float32)
    tfin_ref[...] = lax.dot_general(t_ref[...], P, (((1,), (1,)), ((), ())),
                                    preferred_element_type=jnp.float32)
    hw_ref[...] = lax.dot_general(h, we_ref[...], (((1,), (1,)), ((), ())),
                                  preferred_element_type=jnp.float32)
    mt_ref[...] = jnp.mean(t_ref[...], axis=(0, 1), keepdims=True)


_tc_update = pl.pallas_call(
    _update_body,
    out_shape=(
        jax.ShapeDtypeStruct((B, H), jnp.float32),
        jax.ShapeDtypeStruct((1, B), jnp.float32),
        jax.ShapeDtypeStruct((B, H), jnp.float32),
        jax.ShapeDtypeStruct((1, 1), jnp.float32),
    ),
)


def _scatter_body(upd_hbm, tfin_hbm, idx_hbm, ent_ref, dist_ref,
                  idx_v, upd_v, t_v, sem):
    wid = lax.axis_index("s") * _NC + lax.axis_index("c")
    spw = B // _NW
    sbase = wid * spw
    pltpu.sync_copy(idx_hbm.at[pl.ds(sbase, spw)], idx_v)
    pltpu.sync_copy(upd_hbm.at[pl.ds(sbase, spw)], upd_v)
    pltpu.sync_copy(tfin_hbm.at[pl.ds(sbase, spw)], t_v)
    pltpu.async_copy(upd_v, ent_ref.at[idx_v], sem).wait()
    pltpu.async_copy(t_v, dist_ref.at[idx_v], sem).wait()


_sc_scatter = functools.partial(
    pl.kernel,
    out_type=(),
    mesh=plsc.VectorSubcoreMesh(core_axis_name="c", subcore_axis_name="s"),
    scratch_types=[
        pltpu.VMEM((B // _NW,), jnp.int32),
        pltpu.VMEM((B // _NW, H), jnp.float32),
        pltpu.VMEM((B // _NW,), jnp.float32),
        pltpu.SemaphoreType.DMA,
    ],
)(_scatter_body)


_MBLK = 2048


def _score_body(hw_ref, e_ref, d_ref, mt_ref, w_ref, b_ref, o_ref):
    s = lax.dot_general(hw_ref[...].astype(jnp.bfloat16),
                        e_ref[...].astype(jnp.bfloat16),
                        (((1,), (1,)), ((), ())),
                        preferred_element_type=jnp.float32)
    term = (d_ref[...] - mt_ref[0, 0]) * w_ref[0, 0] + b_ref[0, 0]
    o_ref[...] = s + term


_tc_score = pl.pallas_call(
    _score_body,
    grid=(M // _MBLK,),
    in_specs=[
        pl.BlockSpec((B, H), lambda i: (0, 0)),
        pl.BlockSpec((_MBLK, H), lambda i: (i, 0)),
        pl.BlockSpec((1, _MBLK), lambda i: (0, i)),
        pl.BlockSpec((1, 1), lambda i: (0, 0)),
        pl.BlockSpec((1, 1), lambda i: (0, 0)),
        pl.BlockSpec((1, 1), lambda i: (0, 0)),
    ],
    out_specs=pl.BlockSpec((B, _MBLK), lambda i: (0, i)),
    out_shape=jax.ShapeDtypeStruct((B, M), jnp.float32),
)


def kernel(entities, dist_features, h, t, W_delta_w, W_delta_b, W_entity_w,
           W_entity_b, w_dist_w, w_dist_b, idx):
    idx = idx.astype(jnp.int32)
    e = _sc_gather(entities, idx)
    upd, tfin, hW, mean_t = _tc_update(
        e, h, t.reshape(1, B), W_delta_w, W_delta_b.reshape(1, 1), W_entity_w,
        idx.reshape(1, B), idx.reshape(B, 1))
    ent_ref = jax.new_ref(entities)
    dist_ref = jax.new_ref(dist_features.reshape(M))
    _sc_scatter(upd, tfin.reshape(B), idx, ent_ref, dist_ref)
    new_ent = ent_ref[...]
    new_dist = dist_ref[...]
    bias = (W_entity_b + w_dist_b).reshape(1, 1)
    return _tc_score(hW, new_ent, new_dist.reshape(1, M), mean_t,
                     w_dist_w.reshape(1, 1), bias)

# --- scband reference (transcript-rebuilt; emitter-appended) ---
"""Pipeline reference for scband-entity-nlm-17351667876537 (READ-ONLY COPY).

The authoritative reference and input builder live on the scoring server;
editing this copy changes nothing except your own understanding.
"""

import jax, jax.numpy as jnp
import numpy as np

M = 16384
B = 1024
H = 256

def setup_inputs(seed: int = 0) -> dict:
    key = jax.random.key(seed)
    ks = jax.random.split(key, 10)
    entities = jax.random.normal(ks[0], (M, H), dtype=jnp.float32)
    entities = entities / jnp.linalg.norm(entities, axis=1, keepdims=True)
    dist_features = jax.random.uniform(ks[1], (M, 1), dtype=jnp.float32)
    h = jax.random.normal(ks[2], (B, H), dtype=jnp.float32)
    t = jax.random.uniform(ks[3], (B, 1), dtype=jnp.float32)
    idx = jax.random.randint(ks[4], (B,), 0, M)
    # learned parameters (bilinear W_delta, bilinear W_entity, linear w_dist)
    W_delta_w = jax.random.normal(ks[5], (H, H), dtype=jnp.float32) * 0.02
    W_delta_b = jnp.zeros((1,), dtype=jnp.float32)
    W_entity_w = jax.random.uniform(ks[6], (H, H), minval=-0.01, maxval=0.01, dtype=jnp.float32)
    W_entity_b = jnp.zeros((1,), dtype=jnp.float32)
    w_dist_w = jax.random.uniform(ks[7], (1, 1), minval=-0.01, maxval=0.01, dtype=jnp.float32)
    w_dist_b = jnp.zeros((1,), dtype=jnp.float32)
    return {"entities": entities, "dist_features": dist_features, "h": h, "t": t,
            "W_delta_w": W_delta_w, "W_delta_b": W_delta_b,
            "W_entity_w": W_entity_w, "W_entity_b": W_entity_b,
            "w_dist_w": w_dist_w, "w_dist_b": w_dist_b, "idx": idx}

def reference(entities, dist_features, h, t, W_delta_w, W_delta_b, W_entity_w, W_entity_b, w_dist_w, w_dist_b, idx):
    # --- update_entity_embedding (batched, last-write-wins on duplicate idx) ---
    e = entities[idx]                                            # gather [B,H]
    delta = jax.nn.sigmoid(jnp.einsum('bi,ij,bj->b', e, W_delta_w, h)[:, None] + W_delta_b)  # bilinear W_delta
    updated = delta * e + (1.0 - delta) * h
    updated = updated / jnp.linalg.norm(updated, axis=1, keepdims=True)
    new_entities = entities.at[idx].set(updated)                 # scatter-overwrite (index_copy)
    new_dist = dist_features.at[idx].set(t)                      # scatter-overwrite dist features
    # --- get_next_E: score every entity against each hidden state ---
    dist_feat = new_dist - jnp.mean(t)                           # get_dist_feat(t)
    ent_proj = new_entities @ W_entity_w                         # [M,H]
    scores = (ent_proj @ h.T).T + W_entity_b                     # bilinear W_entity -> [B,M]
    dist_term = (dist_feat @ w_dist_w.T + w_dist_b).reshape(1, -1)  # w_dist -> [1,M]
    pred_e = scores + dist_term
    return pred_e

if __name__ == "__main__":
    import jax
    _d = setup_inputs()
    print(jax.jit(kernel)(*tuple(_d.values())))

</pallas_src>

<mosaic_0001>
#map = affine_map<(d0, d1) -> (0, 0)>
#map1 = affine_map<(d0, d1) -> (0)>
module attributes {stable_mosaic.version = 14 : i64} {
  func.func @_gather_body(%arg0: i32, %arg1: i32, %arg2: memref<16384x256xf32, #tpu.memory_space<hbm>>, %arg3: memref<1024xi32, #tpu.memory_space<hbm>>, %arg4: memref<1024x256xf32, #tpu.memory_space<hbm>>, %arg5: memref<32xi32, #tpu.memory_space<vmem>>, %arg6: memref<32x256xf32, #tpu.memory_space<vmem>>, %arg7: memref<!tpu.dma_semaphore, #tpu.memory_space<semaphore_mem>>) attributes {dimension_semantics = [#tpu.dimension_semantics<core_parallel>, #tpu.dimension_semantics<subcore_parallel>], iteration_bounds = array<i64: 2, 16>, scalar_prefetch = 0 : i64, scratch_operands = 3 : i64, tpu.core_type = #tpu.core_type<sc_vector_subcore>, window_params = [{transform_indices = #map}, {transform_indices = #map1}, {transform_indices = #map}]} {
    %mul3A = arith.constant 2 : i32
    %mul3A_0 = arith.muli %arg1, %mul3A : i32
    %add3A = arith.addi %mul3A_0, %arg0 : i32
    %mul3A_1 = arith.constant 32 : i32
    %mul3A_2 = arith.muli %add3A, %mul3A_1 : i32
    "tpu.region"() ({
      %run_scoped3A = tpu.sem_alloc : memref<!tpu.dma_semaphore, #tpu.memory_space<semaphore_mem>>
      %dma_start3A_7 = tpu.memref_slice %arg3[%mul3A_2] : memref<1024xi32, #tpu.memory_space<hbm>> -> memref<32xi32, #tpu.memory_space<hbm>>
      %dma_start3A_8 = tpu.memref_slice %arg3[%mul3A_2] : memref<1024xi32, #tpu.memory_space<hbm>> -> memref<32xi32, #tpu.memory_space<hbm>>
      tpu.enqueue_dma source(%dma_start3A_8 : memref<32xi32, #tpu.memory_space<hbm>>) target(%arg5 : memref<32xi32, #tpu.memory_space<vmem>>) target_semaphore(%run_scoped3A : memref<!tpu.dma_semaphore, #tpu.memory_space<semaphore_mem>>)
      %dma_wait3A_9 = tpu.memref_slice %arg3[%mul3A_2] : memref<1024xi32, #tpu.memory_space<hbm>> -> memref<32xi32, #tpu.memory_space<hbm>>
      %dma_wait3A_10 = tpu.memref_slice %arg3[%mul3A_2] : memref<1024xi32, #tpu.memory_space<hbm>> -> memref<32xi32, #tpu.memory_space<hbm>>
      tpu.wait_dma2 semaphore(%run_scoped3A : memref<!tpu.dma_semaphore, #tpu.memory_space<semaphore_mem>>) src(%dma_wait3A_10 : memref<32xi32, #tpu.memory_space<hbm>>) dst(%arg5 : memref<32xi32, #tpu.memory_space<vmem>>)
      tpu.yield
    }) : () -> ()
    %dma_start3A = arith.constant 0 : i32
    %dma_start3A_3 = arith.constant 0 : i32
    %dma_start3A_4 = tpu.memref_slice %arg2[%dma_start3A, %dma_start3A_3] : memref<16384x256xf32, #tpu.memory_space<hbm>> -> memref<16384x256xf32, #tpu.memory_space<hbm>>
    tpu.enqueue_indirect_dma source(%dma_start3A_4 : memref<16384x256xf32, #tpu.memory_space<hbm>>) target(%arg6 : memref<32x256xf32, #tpu.memory_space<vmem>>) offsets(%arg5 : memref<32xi32, #tpu.memory_space<vmem>>) semaphore(%arg7 : memref<!tpu.dma_semaphore, #tpu.memory_space<semaphore_mem>>)
    %dma_wait3A = arith.constant 0 : i32
    %dma_wait3A_5 = arith.constant 0 : i32
    %dma_wait3A_6 = tpu.memref_slice %arg2[%dma_wait3A, %dma_wait3A_5] : memref<16384x256xf32, #tpu.memory_space<hbm>> -> memref<16384x256xf32, #tpu.memory_space<hbm>>
    tpu.wait_indirect_dma semaphore(%arg7 : memref<!tpu.dma_semaphore, #tpu.memory_space<semaphore_mem>>) src(%dma_wait3A_6 : memref<16384x256xf32, #tpu.memory_space<hbm>>) dst(%arg6 : memref<32x256xf32, #tpu.memory_space<vmem>>)
    "tpu.region"() ({
      %run_scoped3A = tpu.sem_alloc : memref<!tpu.dma_semaphore, #tpu.memory_space<semaphore_mem>>
      %dma_start3A_7 = arith.constant 0 : i32
      %dma_start3A_8 = tpu.memref_slice %arg4[%mul3A_2, %dma_start3A_7] : memref<1024x256xf32, #tpu.memory_space<hbm>> -> memref<32x256xf32, #tpu.memory_space<hbm>>
      %dma_start3A_9 = arith.constant 0 : i32
      %dma_start3A_10 = tpu.memref_slice %arg4[%mul3A_2, %dma_start3A_9] : memref<1024x256xf32, #tpu.memory_space<hbm>> -> memref<32x256xf32, #tpu.memory_space<hbm>>
      tpu.enqueue_dma source(%arg6 : memref<32x256xf32, #tpu.memory_space<vmem>>) target(%dma_start3A_10 : memref<32x256xf32, #tpu.memory_space<hbm>>) target_semaphore(%run_scoped3A : memref<!tpu.dma_semaphore, #tpu.memory_space<semaphore_mem>>)
      %dma_wait3A_11 = arith.constant 0 : i32
      %dma_wait3A_12 = tpu.memref_slice %arg4[%mul3A_2, %dma_wait3A_11] : memref<1024x256xf32, #tpu.memory_space<hbm>> -> memref<32x256xf32, #tpu.memory_space<hbm>>
      %dma_wait3A_13 = arith.constant 0 : i32
      %dma_wait3A_14 = tpu.memref_slice %arg4[%mul3A_2, %dma_wait3A_13] : memref<1024x256xf32, #tpu.memory_space<hbm>> -> memref<32x256xf32, #tpu.memory_space<hbm>>
      tpu.wait_dma2 semaphore(%run_scoped3A : memref<!tpu.dma_semaphore, #tpu.memory_space<semaphore_mem>>) src(%arg6 : memref<32x256xf32, #tpu.memory_space<vmem>>) dst(%dma_wait3A_14 : memref<32x256xf32, #tpu.memory_space<hbm>>)
      tpu.yield
    }) : () -> ()
    return
  }
}

#map = affine_map<(d0, d1) -> (0, 0)>
#map1 = affine_map<(d0, d1) -> (0)>
module attributes {stable_mosaic.version = 14 : i64} {
  func.func @new_body(%arg0: i32, %arg1: i32, %arg2: memref<1024x256xf32, #tpu.memory_space<hbm>>, %arg3: memref<1024xf32, #tpu.memory_space<hbm>>, %arg4: memref<1024xi32, #tpu.memory_space<hbm>>, %arg5: memref<16384x256xf32, #tpu.memory_space<hbm>>, %arg6: memref<16384xf32, #tpu.memory_space<hbm>>, %arg7: memref<16384x256xf32, #tpu.memory_space<hbm>>, %arg8: memref<16384xf32, #tpu.memory_space<hbm>>, %arg9: memref<32xi32, #tpu.memory_space<vmem>>, %arg10: memref<32x256xf32, #tpu.memory_space<vmem>>, %arg11: memref<32xf32, #tpu.memory_space<vmem>>, %arg12: memref<!tpu.dma_semaphore, #tpu.memory_space<semaphore_mem>>) attributes {dimension_semantics = [#tpu.dimension_semantics<core_parallel>, #tpu.dimension_semantics<subcore_parallel>], iteration_bounds = array<i64: 2, 16>, scalar_prefetch = 0 : i64, scratch_operands = 4 : i64, tpu.core_type = #tpu.core_type<sc_vector_subcore>, window_params = [{transform_indices = #map}, {transform_indices = #map1}, {transform_indices = #map1}, {transform_indices = #map}, {transform_indices = #map1}, {transform_indices = #map}, {transform_indices = #map1}]} {
    %mul3A = arith.constant 2 : i32
    %mul3A_0 = arith.muli %arg1, %mul3A : i32
    %add3A = arith.addi %mul3A_0, %arg0 : i32
    %mul3A_1 = arith.constant 32 : i32
    %mul3A_2 = arith.muli %add3A, %mul3A_1 : i32
    "tpu.region"() ({
      %run_scoped3A = tpu.sem_alloc : memref<!tpu.dma_semaphore, #tpu.memory_space<semaphore_mem>>
      %dma_start3A_11 = tpu.memref_slice %arg4[%mul3A_2] : memref<1024xi32, #tpu.memory_space<hbm>> -> memref<32xi32, #tpu.memory_space<hbm>>
      %dma_start3A_12 = tpu.memref_slice %arg4[%mul3A_2] : memref<1024xi32, #tpu.memory_space<hbm>> -> memref<32xi32, #tpu.memory_space<hbm>>
      tpu.enqueue_dma source(%dma_start3A_12 : memref<32xi32, #tpu.memory_space<hbm>>) target(%arg9 : memref<32xi32, #tpu.memory_space<vmem>>) target_semaphore(%run_scoped3A : memref<!tpu.dma_semaphore, #tpu.memory_space<semaphore_mem>>)
      %dma_wait3A_13 = tpu.memref_slice %arg4[%mul3A_2] : memref<1024xi32, #tpu.memory_space<hbm>> -> memref<32xi32, #tpu.memory_space<hbm>>
      %dma_wait3A_14 = tpu.memref_slice %arg4[%mul3A_2] : memref<1024xi32, #tpu.memory_space<hbm>> -> memref<32xi32, #tpu.memory_space<hbm>>
      tpu.wait_dma2 semaphore(%run_scoped3A : memref<!tpu.dma_semaphore, #tpu.memory_space<semaphore_mem>>) src(%dma_wait3A_14 : memref<32xi32, #tpu.memory_space<hbm>>) dst(%arg9 : memref<32xi32, #tpu.memory_space<vmem>>)
      tpu.yield
    }) : () -> ()
    "tpu.region"() ({
      %run_scoped3A = tpu.sem_alloc : memref<!tpu.dma_semaphore, #tpu.memory_space<semaphore_mem>>
      %dma_start3A_11 = arith.constant 0 : i32
      %dma_start3A_12 = tpu.memref_slice %arg2[%mul3A_2, %dma_start3A_11] : memref<1024x256xf32, #tpu.memory_space<hbm>> -> memref<32x256xf32, #tpu.memory_space<hbm>>
      %dma_start3A_13 = arith.constant 0 : i32
      %dma_start3A_14 = tpu.memref_slice %arg2[%mul3A_2, %dma_start3A_13] : memref<1024x256xf32, #tpu.memory_space<hbm>> -> memref<32x256xf32, #tpu.memory_space<hbm>>
      tpu.enqueue_dma source(%dma_start3A_14 : memref<32x256xf32, #tpu.memory_space<hbm>>) target(%arg10 : memref<32x256xf32, #tpu.memory_space<vmem>>) target_semaphore(%run_scoped3A : memref<!tpu.dma_semaphore, #tpu.memory_space<semaphore_mem>>)
      %dma_wait3A_15 = arith.constant 0 : i32
      %dma_wait3A_16 = tpu.memref_slice %arg2[%mul3A_2, %dma_wait3A_15] : memref<1024x256xf32, #tpu.memory_space<hbm>> -> memref<32x256xf32, #tpu.memory_space<hbm>>
      %dma_wait3A_17 = arith.constant 0 : i32
      %dma_wait3A_18 = tpu.memref_slice %arg2[%mul3A_2, %dma_wait3A_17] : memref<1024x256xf32, #tpu.memory_space<hbm>> -> memref<32x256xf32, #tpu.memory_space<hbm>>
      tpu.wait_dma2 semaphore(%run_scoped3A : memref<!tpu.dma_semaphore, #tpu.memory_space<semaphore_mem>>) src(%dma_wait3A_18 : memref<32x256xf32, #tpu.memory_space<hbm>>) dst(%arg10 : memref<32x256xf32, #tpu.memory_space<vmem>>)
      tpu.yield
    }) : () -> ()
    "tpu.region"() ({
      %run_scoped3A = tpu.sem_alloc : memref<!tpu.dma_semaphore, #tpu.memory_space<semaphore_mem>>
      %dma_start3A_11 = tpu.memref_slice %arg3[%mul3A_2] : memref<1024xf32, #tpu.memory_space<hbm>> -> memref<32xf32, #tpu.memory_space<hbm>>
      %dma_start3A_12 = tpu.memref_slice %arg3[%mul3A_2] : memref<1024xf32, #tpu.memory_space<hbm>> -> memref<32xf32, #tpu.memory_space<hbm>>
      tpu.enqueue_dma source(%dma_start3A_12 : memref<32xf32, #tpu.memory_space<hbm>>) target(%arg11 : memref<32xf32, #tpu.memory_space<vmem>>) target_semaphore(%run_scoped3A : memref<!tpu.dma_semaphore, #tpu.memory_space<semaphore_mem>>)
      %dma_wait3A_13 = tpu.memref_slice %arg3[%mul3A_2] : memref<1024xf32, #tpu.memory_space<hbm>> -> memref<32xf32, #tpu.memory_space<hbm>>
      %dma_wait3A_14 = tpu.memref_slice %arg3[%mul3A_2] : memref<1024xf32, #tpu.memory_space<hbm>> -> memref<32xf32, #tpu.memory_space<hbm>>
      tpu.wait_dma2 semaphore(%run_scoped3A : memref<!tpu.dma_semaphore, #tpu.memory_space<semaphore_mem>>) src(%dma_wait3A_14 : memref<32xf32, #tpu.memory_space<hbm>>) dst(%arg11 : memref<32xf32, #tpu.memory_space<vmem>>)
      tpu.yield
    }) : () -> ()
    %dma_start3A = arith.constant 0 : i32
    %dma_start3A_3 = arith.constant 0 : i32
    %dma_start3A_4 = tpu.memref_slice %arg5[%dma_start3A, %dma_start3A_3] : memref<16384x256xf32, #tpu.memory_space<hbm>> -> memref<16384x256xf32, #tpu.memory_space<hbm>>
    tpu.enqueue_indirect_dma source(%arg10 : memref<32x256xf32, #tpu.memory_space<vmem>>) target(%dma_start3A_4 : memref<16384x256xf32, #tpu.memory_space<hbm>>) offsets(%arg9 : memref<32xi32, #tpu.memory_space<vmem>>) semaphore(%arg12 : memref<!tpu.dma_semaphore, #tpu.memory_space<semaphore_mem>>)
    %dma_wait3A = arith.constant 0 : i32
    %dma_wait3A_5 = arith.constant 0 : i32
    %dma_wait3A_6 = tpu.memref_slice %arg5[%dma_wait3A, %dma_wait3A_5] : memref<16384x256xf32, #tpu.memory_space<hbm>> -> memref<16384x256xf32, #tpu.memory_space<hbm>>
    tpu.wait_indirect_dma semaphore(%arg12 : memref<!tpu.dma_semaphore, #tpu.memory_space<semaphore_mem>>) src(%arg10 : memref<32x256xf32, #tpu.memory_space<vmem>>) dst(%dma_wait3A_6 : memref<16384x256xf32, #tpu.memory_space<hbm>>)
    %dma_start3A_7 = arith.constant 0 : i32
    %dma_start3A_8 = tpu.memref_slice %arg6[%dma_start3A_7] : memref<16384xf32, #tpu.memory_space<hbm>> -> memref<16384xf32, #tpu.memory_space<hbm>>
    tpu.enqueue_indirect_dma source(%arg11 : memref<32xf32, #tpu.memory_space<vmem>>) target(%dma_start3A_8 : memref<16384xf32, #tpu.memory_space<hbm>>) offsets(%arg9 : memref<32xi32, #tpu.memory_space<vmem>>) semaphore(%arg12 : memref<!tpu.dma_semaphore, #tpu.memory_space<semaphore_mem>>)
    %dma_wait3A_9 = arith.constant 0 : i32
    %dma_wait3A_10 = tpu.memref_slice %arg6[%dma_wait3A_9] : memref<16384xf32, #tpu.memory_space<hbm>> -> memref<16384xf32, #tpu.memory_space<hbm>>
    tpu.wait_indirect_dma semaphore(%arg12 : memref<!tpu.dma_semaphore, #tpu.memory_space<semaphore_mem>>) src(%arg11 : memref<32xf32, #tpu.memory_space<vmem>>) dst(%dma_wait3A_10 : memref<16384xf32, #tpu.memory_space<hbm>>)
    return
  }
}

module attributes {stable_mosaic.version = 14 : i64} {
  func.func @_update_body(%arg0: memref<1024x256xf32, #tpu.memory_space<vmem>>, %arg1: memref<1024x256xf32, #tpu.memory_space<vmem>>, %arg2: memref<1x1024xf32, #tpu.memory_space<vmem>>, %arg3: memref<256x256xf32, #tpu.memory_space<vmem>>, %arg4: memref<1x1xf32, #tpu.memory_space<vmem>>, %arg5: memref<256x256xf32, #tpu.memory_space<vmem>>, %arg6: memref<1x1024xi32, #tpu.memory_space<vmem>>, %arg7: memref<1024x1xi32, #tpu.memory_space<vmem>>, %arg8: memref<1024x256xf32, #tpu.memory_space<vmem>>, %arg9: memref<1x1024xf32, #tpu.memory_space<vmem>>, %arg10: memref<1024x256xf32, #tpu.memory_space<vmem>>, %arg11: memref<1x1xf32, #tpu.memory_space<vmem>>) attributes {dimension_semantics = [], scalar_prefetch = 0 : i64, scratch_operands = 0 : i64, tpu.core_type = #tpu.core_type<tc>} {
    %get3A = arith.constant 0 : index
    %get3A_0 = arith.constant 0 : index
    %get3A_1 = vector.load %arg0[%get3A, %get3A_0] : memref<1024x256xf32, #tpu.memory_space<vmem>>, vector<1024x256xf32>
    %get3A_2 = arith.constant 0 : index
    %get3A_3 = arith.constant 0 : index
    %get3A_4 = vector.load %arg1[%get3A_2, %get3A_3] : memref<1024x256xf32, #tpu.memory_space<vmem>>, vector<1024x256xf32>
    %get3A_5 = arith.constant 0 : index
    %get3A_6 = arith.constant 0 : index
    %get3A_7 = vector.load %arg3[%get3A_5, %get3A_6] : memref<256x256xf32, #tpu.memory_space<vmem>>, vector<256x256xf32>
    %dot_general3A = arith.constant dense<0.000000e+00> : vector<1024x256xf32>
    %dot_general3A_8 = tpu.matmul %get3A_1, %get3A_7, %dot_general3A {dimension_numbers = #tpu.dot_dimension_numbers<[1], [0], [0], [1], [0, 0, 1, 1], [], []>, transpose_lhs_hint = false} : vector<1024x256xf32>, vector<256x256xf32>, vector<1024x256xf32> -> vector<1024x256xf32>
    %mul3A = arith.mulf %dot_general3A_8, %get3A_4 : vector<1024x256xf32>
    %reduce_sum3A = arith.constant dense<0.000000e+00> : vector<1024xf32>
    %reduce_sum3A_9 = vector.multi_reduction <add>, %mul3A, %reduce_sum3A [1] : vector<1024x256xf32> to vector<1024xf32>
    %broadcast_in_dim3A = vector.shape_cast %reduce_sum3A_9 : vector<1024xf32> to vector<1024x1xf32>
    %get3A_10 = arith.constant 0 : index
    %get3A_11 = arith.constant 0 : index
    %get3A_12 = vector.load %arg4[%get3A_10, %get3A_11] : memref<1x1xf32, #tpu.memory_space<vmem>>, vector<1x1xf32>
    %get3A_13 = vector.extract %get3A_12[0, 0] : f32 from vector<1x1xf32>
    %add3A = vector.broadcast %get3A_13 : f32 to vector<1024x1xf32>
    %add3A_14 = arith.addf %broadcast_in_dim3A, %add3A : vector<1024x1xf32>
    %logistic3A = arith.negf %add3A_14 : vector<1024x1xf32>
    %logistic3A_15 = math.exp %logistic3A : vector<1024x1xf32>
    %logistic3A_16 = arith.constant 1.000000e+00 : f32
    %logistic3A_17 = vector.broadcast %logistic3A_16 : f32 to vector<1024x1xf32>
    %logistic3A_18 = arith.addf %logistic3A_17, %logistic3A_15 : vector<1024x1xf32>
    %logistic3A_19 = arith.divf %logistic3A_17, %logistic3A_18 : vector<1024x1xf32>
    %mul3A_20 = vector.broadcast %logistic3A_19 : vector<1024x1xf32> to vector<1024x256xf32>
    %mul3A_21 = arith.mulf %mul3A_20, %get3A_1 : vector<1024x256xf32>
    %sub3A = arith.constant 1.000000e+00 : f32
    %sub3A_22 = vector.broadcast %sub3A : f32 to vector<1024x1xf32>
    %sub3A_23 = arith.subf %sub3A_22, %logistic3A_19 : vector<1024x1xf32>
    %mul3A_24 = vector.broadcast %sub3A_23 : vector<1024x1xf32> to vector<1024x256xf32>
    %mul3A_25 = arith.mulf %mul3A_24, %get3A_4 : vector<1024x256xf32>
    %add3A_26 = arith.addf %mul3A_21, %mul3A_25 : vector<1024x256xf32>
    %mul3A_27 = arith.mulf %add3A_26, %add3A_26 : vector<1024x256xf32>
    %reduce_sum3A_28 = arith.constant dense<0.000000e+00> : vector<1024xf32>
    %reduce_sum3A_29 = vector.multi_reduction <add>, %mul3A_27, %reduce_sum3A_28 [1] : vector<1024x256xf32> to vector<1024xf32>
    %broadcast_in_dim3A_30 = vector.shape_cast %reduce_sum3A_29 : vector<1024xf32> to vector<1024x1xf32>
    %rsqrt3A = math.rsqrt %broadcast_in_dim3A_30 : vector<1024x1xf32>
    %mul3A_31 = vector.broadcast %rsqrt3A : vector<1024x1xf32> to vector<1024x256xf32>
    %mul3A_32 = arith.mulf %add3A_26, %mul3A_31 : vector<1024x256xf32>
    %get3A_33 = arith.constant 0 : index
    %get3A_34 = arith.constant 0 : index
    %get3A_35 = vector.load %arg7[%get3A_33, %get3A_34] : memref<1024x1xi32, #tpu.memory_space<vmem>>, vector<1024x1xi32>
    %get3A_36 = arith.constant 0 : index
    %get3A_37 = arith.constant 0 : index
    %get3A_38 = vector.load %arg6[%get3A_36, %get3A_37] : memref<1x1024xi32, #tpu.memory_space<vmem>>, vector<1x1024xi32>
    %eq3A = vector.broadcast %get3A_35 : vector<1024x1xi32> to vector<1024x1024xi32>
    %eq3A_39 = vector.broadcast %get3A_38 : vector<1x1024xi32> to vector<1024x1024xi32>
    %eq3A_40 = arith.cmpi eq, %eq3A, %eq3A_39 : vector<1024x1024xi32>
    %iota3A = tpu.iota {dimensions = array<i32: 1>} : vector<1024x1024xi32>
    %jit3A = arith.constant -1 : i32
    %broadcast_in_dim3A_41 = vector.broadcast %jit3A : i32 to vector<1024x1024xi32>
    %select_n3A = arith.select %eq3A_40, %iota3A, %broadcast_in_dim3A_41 : vector<1024x1024xi1>, vector<1024x1024xi32>
    %reduce_max3A = arith.constant dense<-2147483648> : vector<1024xi32>
    %reduce_max3A_42 = vector.multi_reduction <maxsi>, %select_n3A, %reduce_max3A [1] : vector<1024x1024xi32> to vector<1024xi32>
    %broadcast_in_dim3A_43 = vector.shape_cast %reduce_max3A_42 : vector<1024xi32> to vector<1024x1xi32>
    %eq3A_44 = vector.broadcast %broadcast_in_dim3A_43 : vector<1024x1xi32> to vector<1024x1024xi32>
    %eq3A_45 = arith.cmpi eq, %iota3A, %eq3A_44 : vector<1024x1024xi32>
    %convert_element_type3A = arith.extui %eq3A_45 : vector<1024x1024xi1> to vector<1024x1024xi32>
    %convert_element_type3A_46 = arith.sitofp %convert_element_type3A : vector<1024x1024xi32> to vector<1024x1024xf32>
    %dot_general3A_47 = arith.constant dense<0.000000e+00> : vector<1024x256xf32>
    %dot_general3A_48 = tpu.matmul %convert_element_type3A_46, %mul3A_32, %dot_general3A_47 {dimension_numbers = #tpu.dot_dimension_numbers<[1], [0], [0], [1], [0, 0, 1, 1], [], []>, transpose_lhs_hint = false} : vector<1024x1024xf32>, vector<1024x256xf32>, vector<1024x256xf32> -> vector<1024x256xf32>
    %swap3A = arith.constant 0 : index
    %swap3A_49 = arith.constant 0 : index
    %swap3A_50 = vector.load %arg8[%swap3A, %swap3A_49] : memref<1024x256xf32, #tpu.memory_space<vmem>>, vector<1024x256xf32>
    tpu.vector_store %arg8[%swap3A, %swap3A_49], %dot_general3A_48 {strides = array<i32>} : memref<1024x256xf32, #tpu.memory_space<vmem>>, vector<1024x256xf32>,
    %get3A_51 = arith.constant 0 : index
    %get3A_52 = arith.constant 0 : index
    %get3A_53 = vector.load %arg2[%get3A_51, %get3A_52] : memref<1x1024xf32, #tpu.memory_space<vmem>>, vector<1x1024xf32>
    %dot_general3A_54 = arith.constant dense<0.000000e+00> : vector<1x1024xf32>
    %dot_general3A_55 = tpu.matmul %get3A_53, %convert_element_type3A_46, %dot_general3A_54 {dimension_numbers = #tpu.dot_dimension_numbers<[1], [1], [0], [0], [0, 0, 1, 0], [], []>, transpose_lhs_hint = false} : vector<1x1024xf32>, vector<1024x1024xf32>, vector<1x1024xf32> -> vector<1x1024xf32>
    %swap3A_56 = arith.constant 0 : index
    %swap3A_57 = arith.constant 0 : index
    %swap3A_58 = vector.load %arg9[%swap3A_56, %swap3A_57] : memref<1x1024xf32, #tpu.memory_space<vmem>>, vector<1x1024xf32>
    tpu.vector_store %arg9[%swap3A_56, %swap3A_57], %dot_general3A_55 {strides = array<i32>} : memref<1x1024xf32, #tpu.memory_space<vmem>>, vector<1x1024xf32>,
    %get3A_59 = arith.constant 0 : index
    %get3A_60 = arith.constant 0 : index
    %get3A_61 = vector.load %arg5[%get3A_59, %get3A_60] : memref<256x256xf32, #tpu.memory_space<vmem>>, vector<256x256xf32>
    %dot_general3A_62 = arith.constant dense<0.000000e+00> : vector<1024x256xf32>
    %dot_general3A_63 = tpu.matmul %get3A_4, %get3A_61, %dot_general3A_62 {dimension_numbers = #tpu.dot_dimension_numbers<[1], [1], [0], [0], [0, 0, 1, 0], [], []>, transpose_lhs_hint = false} : vector<1024x256xf32>, vector<256x256xf32>, vector<1024x256xf32> -> vector<1024x256xf32>
    %swap3A_64 = arith.constant 0 : index
    %swap3A_65 = arith.constant 0 : index
    %swap3A_66 = vector.load %arg10[%swap3A_64, %swap3A_65] : memref<1024x256xf32, #tpu.memory_space<vmem>>, vector<1024x256xf32>
    tpu.vector_store %arg10[%swap3A_64, %swap3A_65], %dot_general3A_63 {strides = array<i32>} : memref<1024x256xf32, #tpu.memory_space<vmem>>, vector<1024x256xf32>,
    %get3A_67 = arith.constant 0 : index
    %get3A_68 = arith.constant 0 : index
    %get3A_69 = vector.load %arg2[%get3A_67, %get3A_68] : memref<1x1024xf32, #tpu.memory_space<vmem>>, vector<1x1024xf32>
    %reduce_sum3A_70 = vector.shape_cast %get3A_69 : vector<1x1024xf32> to vector<1x1x1024xf32>
    %reduce_sum3A_71 = arith.constant dense<0.000000e+00> : vector<1xf32>
    %reduce_sum3A_72 = vector.multi_reduction <add>, %reduce_sum3A_70, %reduce_sum3A_71 [1, 2] : vector<1x1x1024xf32> to vector<1xf32>
    %reduce_sum3A_73 = vector.shape_cast %reduce_sum3A_72 : vector<1xf32> to vector<1x1x1xf32>
    %reduce_sum3A_74 = vector.extract %reduce_sum3A_73[0, 0, 0] : f32 from vector<1x1x1xf32>
    %broadcast_in_dim3A_75 = vector.broadcast %reduce_sum3A_74 : f32 to vector<1x1xf32>
    %div3A = arith.constant 1.024000e+03 : f32
    %div3A_76 = vector.broadcast %div3A : f32 to vector<1x1xf32>
    %div3A_77 = arith.divf %broadcast_in_dim3A_75, %div3A_76 : vector<1x1xf32>
    %swap3A_78 = arith.constant 0 : index
    %swap3A_79 = arith.constant 0 : index
    %swap3A_80 = vector.load %arg11[%swap3A_78, %swap3A_79] : memref<1x1xf32, #tpu.memory_space<vmem>>, vector<1x1xf32>
    tpu.vector_store %arg11[%swap3A_78, %swap3A_79], %div3A_77 {strides = array<i32>} : memref<1x1xf32, #tpu.memory_space<vmem>>, vector<1x1xf32>,
    return
  }
}

module attributes {stable_mosaic.version = 14 : i64} {
  func.func @_score_body(%arg0: i32, %arg1: memref<1024x256xf32, #tpu.memory_space<vmem>>, %arg2: memref<2048x256xf32, #tpu.memory_space<vmem>>, %arg3: memref<1x2048xf32, #tpu.memory_space<vmem>>, %arg4: memref<1x1xf32, #tpu.memory_space<vmem>>, %arg5: memref<1x1xf32, #tpu.memory_space<vmem>>, %arg6: memref<1x1xf32, #tpu.memory_space<vmem>>, %arg7: memref<1024x2048xf32, #tpu.memory_space<vmem>>) attributes {dimension_semantics = [#tpu.dimension_semantics<arbitrary>], iteration_bounds = array<i64: 8>, scalar_prefetch = 0 : i64, scratch_operands = 0 : i64, tpu.core_type = #tpu.core_type<tc>, window_params = [{pipeline_mode = #tpu.pipeline_mode<synchronous>, transform_indices = @transform_0, window_bounds = array<i64: 1024, 256>}, {transform_indices = @transform_1, window_bounds = array<i64: 2048, 256>}, {transform_indices = @transform_2, window_bounds = array<i64: 1, 2048>}, {pipeline_mode = #tpu.pipeline_mode<synchronous>, transform_indices = @transform_3, window_bounds = array<i64: 1, 1>}, {pipeline_mode = #tpu.pipeline_mode<synchronous>, transform_indices = @transform_4, window_bounds = array<i64: 1, 1>}, {pipeline_mode = #tpu.pipeline_mode<synchronous>, transform_indices = @transform_5, window_bounds = array<i64: 1, 1>}, {transform_indices = @transform_6, window_bounds = array<i64: 1024, 2048>}]} {
    %get3A = arith.constant 0 : index
    %get3A_0 = arith.constant 0 : index
    %get3A_1 = vector.load %arg1[%get3A, %get3A_0] : memref<1024x256xf32, #tpu.memory_space<vmem>>, vector<1024x256xf32>
    %convert_element_type3A = arith.truncf %get3A_1 : vector<1024x256xf32> to vector<1024x256xbf16>
    %get3A_2 = arith.constant 0 : index
    %get3A_3 = arith.constant 0 : index
    %get3A_4 = vector.load %arg2[%get3A_2, %get3A_3] : memref<2048x256xf32, #tpu.memory_space<vmem>>, vector<2048x256xf32>
    %convert_element_type3A_5 = arith.truncf %get3A_4 : vector<2048x256xf32> to vector<2048x256xbf16>
    %dot_general3A = arith.constant dense<0.000000e+00> : vector<1024x2048xf32>
    %dot_general3A_6 = tpu.matmul %convert_element_type3A, %convert_element_type3A_5, %dot_general3A {dimension_numbers = #tpu.dot_dimension_numbers<[1], [1], [0], [0], [0, 0, 1, 0], [], []>, transpose_lhs_hint = false} : vector<1024x256xbf16>, vector<2048x256xbf16>, vector<1024x2048xf32> -> vector<1024x2048xf32>
    %get3A_7 = arith.constant 0 : index
    %get3A_8 = arith.constant 0 : index
    %get3A_9 = vector.load %arg3[%get3A_7, %get3A_8] : memref<1x2048xf32, #tpu.memory_space<vmem>>, vector<1x2048xf32>
    %get3A_10 = arith.constant 0 : index
    %get3A_11 = arith.constant 0 : index
    %get3A_12 = vector.load %arg4[%get3A_10, %get3A_11] : memref<1x1xf32, #tpu.memory_space<vmem>>, vector<1x1xf32>
    %get3A_13 = vector.extract %get3A_12[0, 0] : f32 from vector<1x1xf32>
    %sub3A = vector.broadcast %get3A_13 : f32 to vector<1x2048xf32>
    %sub3A_14 = arith.subf %get3A_9, %sub3A : vector<1x2048xf32>
    %get3A_15 = arith.constant 0 : index
    %get3A_16 = arith.constant 0 : index
    %get3A_17 = vector.load %arg5[%get3A_15, %get3A_16] : memref<1x1xf32, #tpu.memory_space<vmem>>, vector<1x1xf32>
    %get3A_18 = vector.extract %get3A_17[0, 0] : f32 from vector<1x1xf32>
    %mul3A = vector.broadcast %get3A_18 : f32 to vector<1x2048xf32>
    %mul3A_19 = arith.mulf %sub3A_14, %mul3A : vector<1x2048xf32>
    %get3A_20 = arith.constant 0 : index
    %get3A_21 = arith.constant 0 : index
    %get3A_22 = vector.load %arg6[%get3A_20, %get3A_21] : memref<1x1xf32, #tpu.memory_space<vmem>>, vector<1x1xf32>
    %get3A_23 = vector.extract %get3A_22[0, 0] : f32 from vector<1x1xf32>
    %add3A = vector.broadcast %get3A_23 : f32 to vector<1x2048xf32>
    %add3A_24 = arith.addf %mul3A_19, %add3A : vector<1x2048xf32>
    %add3A_25 = vector.broadcast %add3A_24 : vector<1x2048xf32> to vector<1024x2048xf32>
    %add3A_26 = arith.addf %dot_general3A_6, %add3A_25 : vector<1024x2048xf32>
    %swap3A = arith.constant 0 : index
    %swap3A_27 = arith.constant 0 : index
    %swap3A_28 = vector.load %arg7[%swap3A, %swap3A_27] : memref<1024x2048xf32, #tpu.memory_space<vmem>>, vector<1024x2048xf32>
    tpu.vector_store %arg7[%swap3A, %swap3A_27], %add3A_26 {strides = array<i32>} : memref<1024x2048xf32, #tpu.memory_space<vmem>>, vector<1024x2048xf32>,
    return
  }
  func.func @transform_0(%arg0: i32) -> (i32, i32) {
    %c0_i32 = arith.constant 0 : i32
    %c0_i32_0 = arith.constant 0 : i32
    %c0_i32_1 = arith.constant 0 : i32
    return %c0_i32, %c0_i32_0 : i32, i32
  }
  func.func @transform_1(%arg0: i32) -> (i32, i32) {
    %c0_i32 = arith.constant 0 : i32
    %c0_i32_0 = arith.constant 0 : i32
    return %arg0, %c0_i32 : i32, i32
  }
  func.func @transform_2(%arg0: i32) -> (i32, i32) {
    %c0_i32 = arith.constant 0 : i32
    %c0_i32_0 = arith.constant 0 : i32
    return %c0_i32, %arg0 : i32, i32
  }
  func.func @transform_3(%arg0: i32) -> (i32, i32) {
    %c0_i32 = arith.constant 0 : i32
    %c0_i32_0 = arith.constant 0 : i32
    %c0_i32_1 = arith.constant 0 : i32
    return %c0_i32, %c0_i32_0 : i32, i32
  }
  func.func @transform_4(%arg0: i32) -> (i32, i32) {
    %c0_i32 = arith.constant 0 : i32
    %c0_i32_0 = arith.constant 0 : i32
    %c0_i32_1 = arith.constant 0 : i32
    return %c0_i32, %c0_i32_0 : i32, i32
  }
  func.func @transform_5(%arg0: i32) -> (i32, i32) {
    %c0_i32 = arith.constant 0 : i32
    %c0_i32_0 = arith.constant 0 : i32
    %c0_i32_1 = arith.constant 0 : i32
    return %c0_i32, %c0_i32_0 : i32, i32
  }
  func.func @transform_6(%arg0: i32) -> (i32, i32) {
    %c0_i32 = arith.constant 0 : i32
    %c0_i32_0 = arith.constant 0 : i32
    return %c0_i32, %arg0 : i32, i32
  }
}

</mosaic_0001>

<sc_bundles>
// kernel: kernel.6.cloned.1.call-start
scs
__scs_entry_jumppad:
0x0: {  	(pc) =	sbr.rel $0x88, $3  }
0x1: {  	(tag) =	ssettag $0x0;
	lr =	simm.s32 $0x1  }
0x2: {  	[smem:$0x3F96] =	sst lr;
	_ =	strace $0xD0000000  }
0x3: {  	_ = 	snop  }
0x4: {  	_ = 	snop  }
0x5: {  	_ = 	snop  }
0x6: {  	_ = 	snop  }
0x7: {  	_ = 	snop  }
__scs_overlays_trampoline_lowered:
0x8: {  	[smem:$0x3FA5] =	sst s0  }
0x9: {  	[smem:$0x3FA6] =	sst s1  }
0xa: {  	[smem:$0x3FA7] =	sst s2  }
0xb: {  	[smem:$0x3FA8] =	sst s3  }
0xc: {  	[smem:$0x3FA9] =	sst s4  }
0xd: {  	[smem:$0x3FAA] =	sst s5  }
0xe: {  	[smem:$0x3FAB] =	sst s6  }
0xf: {  	[smem:$0x3FAC] =	sst s7  }
0x10: {  	[smem:$0x3FAD] =	sst s8  }
0x11: {  	[smem:$0x3FAE] =	sst s9;
	s0 =	simm.s32 @!p0 $0x0  }
0x12: {  	s1 =	sld [smem:$0x3F94];
	s0 =	simm.s32 @p0 $0x1  }
0x13: {  	[smem:$0x3FAF] =	sst s0;
	s0 =	simm.s32 @!p1 $0x0  }
0x14: {  	s2 =	sld [smem:$0x3F93];
	s0 =	simm.s32 @p1 $0x1  }
0x15: {  	[smem:$0x3FB0] =	sst s0;
	s0 =	simm.s32 @!p2 $0x0  }
0x16: {  	s3 =	sld [smem:$0x3FDB];
	s0 =	simm.s32 @p2 $0x1  }
0x17: {  	s4 =	simm.s32 $0x1BF5;
	[smem:$0x3FB2] =	sst s0  }
0x18: {  	s0 =	sld [smem:$0x3F95];
	_ =	swait.ge [sflag:s4], $0x0  }
0x19: {  	s7 =	sld [smem:$0x3F96]  }
0x1a: {  	s8 =	sadd.s32 $0xFFFFE003, lr  }
0x1b: {  	s9 =	sadd.s32 $0xFFFFFEF7, lr;
	s5 =	simm.s32 $0xFFFFFFFF;
	p2 =	slt.u32 s8, $0xFFFFF086  }
0x1c: {  	p1 =	slt.u32 s9, $0xF7A;
	s5 =	simm.s32 @!p2 $0x0  }
0x1d: {  	s5 =	simm.s32 @p1 $0x1;
	p0 =	seq.s32 s7, s2  }
0x1e: {  	s7 =	smul.u32 @!p0 $0xF7A, s2;
	p2 =	seq.s32 @!p0 s5, $0x0  }
0x1f: {  	s9 =	smul.u32 $0xF7A, s1;
	s8 =	simm.s32 @!p0 $0x1BF5;
	p2 =	por !p2, p0  }
0x20: {  	[sflag:s8] =	ssyncset.s32 @!p0 $0xFFFFF086;
	s6 =	sadd.s32 @!p0 s3, s7;
	s7 =	simm.s32 @!p0 $0x108  }
0x21: {  	s3 =	sadd.s32 s3, s9;
	s6 =	sadd.s32 @!p0 $0x88, s6;
	s7 =	simm.s32 @p2 $0x1082  }
0x22: {  	[simem:s7], [sflag:s8] =	dma.local @!p0 [hbm:s6], $0xF7A  }
0x23: {  	s9 =	sor.u32 $0xD0000000, s2;
	s6 =	simm.s32 $0x108;
	_ =	swait.ge @!p0 [sflag:s8], $0x0  }
0x24: {  	s3 =	sadd.s32 $0x88, s3;
	s6 =	simm.s32 @!p1 $0x1082;
	[sflag:s4] =	ssyncset.s32 $0xFFFFF086  }
0x25: {  	[simem:s6], [sflag:s4] =	dma.local [hbm:s3], $0xF7A  }
0x26: {  	[smem:$0x3F96] =	sst s1;
	(tag) =	ssettag s2;
	_ =	strace s9  }
0x27: {  	s1 =	sld [smem:$0x3FA6]  }
0x28: {  	s2 =	sld [smem:$0x3FA7]  }
0x29: {  	s4 =	sld [smem:$0x3FA9]  }
0x2a: {  	p0 =	seq.s32 s5, $0x0;
	s5 =	sld [smem:$0x3FAA]  }
0x2b: {  	s6 =	sld [smem:$0x3FAB]  }
0x2c: {  	s7 =	sld [smem:$0x3FAC]  }
0x2d: {  	s3 =	simm.s32 $0x108;
	s8 =	sld [smem:$0x3FAD]  }
0x2e: {  	s3 =	simm.s32 @!p0 $0x1082;
	s9 =	sld [smem:$0x3FAE]  }
0x2f: {  	lr =	sadd.s32 s0, s3;
	s0 =	sld [smem:$0x3FA5]  }
0x30: {  	s3 =	sld [smem:$0x3FA8]  }
0x31: {  	[smem:$0x3FB1] =	sst s10  }
0x32: {  	s10 =	sld [smem:$0x3FAF];
	_ =	sdelay $0x3  }
0x33: {  	p0 =	seq.s32 s10, $0x1;
	s10 =	sld [smem:$0x3FB1];
	_ =	sdelay $0x3  }
0x34: {  	[smem:$0x3FB1] =	sst s10  }
0x35: {  	s10 =	sld [smem:$0x3FB0];
	_ =	sdelay $0x3  }
0x36: {  	p1 =	seq.s32 s10, $0x1;
	s10 =	sld [smem:$0x3FB1];
	_ =	sdelay $0x3  }
0x37: {  	[smem:$0x3FB1] =	sst s10  }
0x38: {  	s10 =	sld [smem:$0x3FB2]  }
0x39: {  	_ = 	snop;
	(pc) =	sbr.ind lr, $3  }
0x3a: {  	_ = 	snop  }
0x3b: {  	_ = 	snop  }
0x3c: {  	p2 =	seq.s32 s10, $0x1;
	s10 =	sld [smem:$0x3FB1]  }
0x3d: {  	_ =	shalt  }
0x3e: {  	_ =	shalt  }
0x3f: {  	_ =	shalt  }
0x40: {  	_ =	shalt  }
0x41: {  	_ =	shalt  }
0x42: {  	_ =	shalt  }
0x43: {  	_ =	shalt  }
0x44: {  	_ =	shalt  }
0x45: {  	_ =	shalt  }
0x46: {  	_ =	shalt  }
0x47: {  	_ =	shalt  }
0x48: {  	_ =	shalt  }
0x49: {  	_ =	shalt  }
0x4a: {  	_ =	shalt  }
0x4b: {  	_ =	shalt  }
0x4c: {  	_ =	shalt  }
0x4d: {  	_ =	shalt  }
0x4e: {  	_ =	shalt  }
0x4f: {  	_ =	shalt  }
0x50: {  	_ =	shalt  }
0x51: {  	_ =	shalt  }
0x52: {  	_ =	shalt  }
0x53: {  	_ =	shalt  }
0x54: {  	_ =	shalt  }
0x55: {  	_ =	shalt  }
0x56: {  	_ =	shalt  }
0x57: {  	_ =	shalt  }
0x58: {  	_ =	shalt  }
0x59: {  	_ =	shalt  }
0x5a: {  	_ =	shalt  }
0x5b: {  	_ =	shalt  }
0x5c: {  	_ =	shalt  }
0x5d: {  	_ =	shalt  }
0x5e: {  	_ =	shalt  }
0x5f: {  	_ =	shalt  }
0x60: {  	_ =	shalt  }
0x61: {  	_ =	shalt  }
0x62: {  	_ =	shalt  }
0x63: {  	_ =	shalt  }
0x64: {  	_ =	shalt  }
0x65: {  	_ =	shalt  }
0x66: {  	_ =	shalt  }
0x67: {  	_ =	shalt  }
0x68: {  	_ =	shalt  }
0x69: {  	_ =	shalt  }
0x6a: {  	_ =	shalt  }
0x6b: {  	_ =	shalt  }
0x6c: {  	_ =	shalt  }
0x6d: {  	_ =	shalt  }
0x6e: {  	_ =	shalt  }
0x6f: {  	_ =	shalt  }
0x70: {  	_ =	shalt  }
0x71: {  	_ =	shalt  }
0x72: {  	_ =	shalt  }
0x73: {  	_ =	shalt  }
0x74: {  	_ =	shalt  }
0x75: {  	_ =	shalt  }
0x76: {  	_ =	shalt  }
0x77: {  	_ =	shalt  }
0x78: {  	_ =	shalt  }
0x79: {  	_ =	shalt  }
0x7a: {  	_ =	shalt  }
0x7b: {  	_ =	shalt  }
0x7c: {  	_ =	shalt  }
0x7d: {  	_ =	shalt  }
0x7e: {  	_ =	shalt  }
0x7f: {  	_ =	shalt  }
0x80: {  	_ =	shalt  }
0x81: {  	_ =	shalt  }
0x82: {  	_ =	shalt  }
0x83: {  	_ =	shalt  }
0x84: {  	_ =	shalt  }
0x85: {  	_ =	shalt  }
0x86: {  	_ =	shalt  }
0x87: {  	_ =	shalt  }
.Lfunc_end0:
.L_simem_size_0:
called_computation_lowered:
.L_overlay_start_0:
0x88: {  	s2 =	sld [smem:$0x3FD9]  }
0x89: {  	s3 =	sld [smem:$0x3FFE];
	_ =	sdelay $0x1  }
0x8a: {  	s1 =	srdreg.scid  }
0x8b: {  	s0 =	sand.u32 $0x1, s1  }
0x8c: {  	s17 =	sshll.u32 s0, $0xA;
	s2 =	sadd.s32 s3, s2  }
0x8d: {  	s2 =	sadd.s32 s2, s17  }
0x8e: {  	[smem:$0x3FBD] =	sst s2  }
0x8f: {  	_ = 	snop  }
0x90: {  	s2 =	sld [smem:$0x3FBF]  }
0x91: {  	s18 =	sld [smem:$0x3FD0];
	(tm) =	ssettm $0x1  }
0x92: {  	s4 =	sld [smem:$0x3FFB];
	_ =	sdelay $0x3  }
0x93: {  	_ =	strace s4  }
0x94: {  	s4 =	sld [smem:$0x3FFC];
	_ =	sdelay $0x3  }
0x95: {  	_ =	strace s4  }
0x96: {  	s4 =	sld [smem:$0x3FFD];
	_ =	sdelay $0x3  }
0x97: {  	_ =	strace s4  }
0x98: {  	_ =	strace $0x8FFFFFFF  }
0x99: {  	s19 =	sld [smem:$0x3FDB];
	_ =	sdelay $0x1  }
0x9a: {  	s5 =	simm.s32 $_scs_section_size  }
0x9b: {  	s6 =	simm.s32 $_size__tile_overlayer_lowered;
	s7 =	simm.s32 $_tile_overlayer_lowered  }
0x9c: {  	s22 =	simm.s32 $0x1BFF;
	s21 =	sshll.u32 s7, $0x1;
	s4 =	sadd.s32 s5, s19  }
0x9d: {  	s8 =	simm.s32 $0x0;
	s20 =	sshll.u32 s6, $0x1;
	s6 =	sadd.s32 s21, s4  }
0x9e: {  	[timem:s8], [sflag:s22] =	dma.local [hbm:s6], s20  }
0x9f: {  	_ =	swait.ge [sflag:s22], s20  }
0xa0: {  	s5 =	ssub.s32 $0x0, s20;
	[sflag:s22] =	ssyncset.done $0x0  }
0xa1: {  	[sflag:s22] =	ssyncadd.s32 s5;
	_ =	sdelay $0x1  }
0xa2: {  	s23 =	simm.s32 $0x1B8B  }
0xa3: {  	_ =	swait.ge [sflag:s23], $0x1  }
0xa4: {  	[sflag:s23] =	ssyncset.done $0x0  }
0xa5: {  	s25 =	simm.s32 $0x1B8E;
	s24 =	sld [smem:$0x3FFE];
	[sflag:s23] =	ssyncadd.s32 $0xFFFFFFFF  }
0xa6: {  	s26 =	simm.s32 $execute0_lowered;
	[smem:$0x3FD2] =	sst s25  }
0xa7: {  	s6 =	sshll.u32 s26, $0x1;
	_ =	strace $0x80000046;
	[dreg:$0x1] =	wrdreg $0xFFFFFFFF  }
0xa8: {  	s28 =	simm.s32 $_size_execute0_lowered;
	s4 =	sadd.s32 s4, s6;
	[dreg:$0x0] =	wrdreg $0x0  }
0xa9: {  	s6 =	sshll.u32 s28, $0x1;
	[dreg:$0x2] =	wrdreg s4  }
0xaa: {  	[dreg:$0x3] =	wrdreg s6  }
0xab: {  	[dreg:$0x4] =	wrdreg $0xC0  }
0xac: {  	_ =	task [dreg:s8], $0x5FFFF  }
0xad: {  	[dreg:$0x1] =	wrdreg $0xFFFFFFFF  }
0xae: {  	[dreg:$0x0] =	wrdreg $0x60  }
0xaf: {  	[dreg:$0x2] =	wrdreg s18  }
0xb0: {  	[dreg:$0x3] =	wrdreg s2  }
0xb1: {  	[dreg:$0x4] =	wrdreg s24  }
0xb2: {  	[dreg:$0x5] =	wrdreg $0x9  }
0xb3: {  	_ =	task.clear_ibuf [dreg:s8], $0x6FFFF;
	_ =	strace $0x90000046  }
0xb4: {  	s29 =	simm.s32 $0x9;
	_ =	strace $0x80000048  }
0xb5: {  	_ =	swait.ge [sflag:s29], $0x1  }
0xb6: {  	[sflag:s29] =	ssyncadd.s32 $0xFFFFFFFF  }
0xb7: {  	_ =	strace $0x90000048  }
0xb8: {  	_ =	sfence  }
0xb9: {  	s30 =	sld [smem:$0x0];
	_ =	sdelay $0x2  }
0xba: {  	s31 =	sshll.u32 s1, $0xD;
	s1 =	sshrl.u32 s1, $0x2  }
0xbb: {  	s3 =	sand.u32 $0x4000, s31;
	s1 =	sadd.s32 s1, s30  }
0xbc: {  	s0 =	sor.u32 s3, s0;
	s1 =	sshll.u32 s1, $0x11  }
0xbd: {  	s0 =	sor.u32 s1, s0  }
0xbe: {  	s0 =	sadd.s32 $0x8F2B, s0  }
0xbf: {  	[sflag:s0] =	ssyncadd.remote.s32 $0x1  }
0xc0: {  	_ =	sfence.sel $0xFFFF  }
0xc1: {  	[dreg:$0x0] =	wrdreg $0xFFFFFFFF;
	(pc) =	sbr.abs _section_cstart, $3  }
0xc2: {  	[dreg:$0x1] =	wrdreg $0xFFFFFFFF  }
0xc3: {  	_ =	task.clear_ibuf [dreg:s8], $0x2FFFF;
	_ =	strace $0x9FFFFFFF  }
0xc4: {  	(tm) =	ssettm $0x7FFFFFFF  }
0xc5: {  	_ =	shalt  }
tec
execute0_lowered:
.L_overlay_start_1:
0x0: {  	(tag) =	ssettag $0x1  }
0x1: {  	s1 =	rddreg [dreg:$0x0]  }
0x2: {  	s4 =	rddreg [dreg:$0x1]  }
0x3: {  	s5 =	rddreg [dreg:$0x2];
	s3 =	srdreg.scid  }
0x4: {  	s0 =	rddreg [dreg:$0x3];
	s2 =	stileid.u32;
	s10 =	simm.s32 $0x1080  }
0x5: {  	s11 =	simm.s32 $0x1880;
	s12 =	simm.s32 $0x1;
	s6 =	sand.u32 $0x1, s3  }
0x6: {  	s3 =	simm.s32 $0x0;
	s7 =	sshll.u32 s2, $0x6;
	s8 =	sshll.u32 s6, $0x5  }
0x7: {  	[smem:$0x7FF] =	sst s3;
	s6 =	ssub.s32 $0x2, s6;
	s7 =	sor.u32 s8, s7  }
0x8: {  	_ =	strace $0x80000047;
	s9 =	sshrl.u32 s6, $0x1;
	s8 =	sshll.u32 s7, $0x5  }
0x9: {  	v2 =	vlaneseq.u32;
	s6 =	ssub.s32 s6, s9;
	s7 =	sshrl.u32 s7, $0x3;
	s9 =	simm.s32 $0x880  }
0xa: {  	vm0 =	vmmov $0xffff;
	v1 =	vshrl.u32 v2, $0x3;
	s5 =	sadd.s32 s8, s5;
	s4 =	sadd.s32 s4, s7;
	s6 =	smax.u32 s6, $0x1  }
0xb: {  	v0 =	vand.u32 $0x7, v2;
	v2 =	vor.u32 $0x8, v2;
	v1 =	vmul.u32 $0x8, v1;
	s7 =	simm.s32 $0x2;
	s8 =	simm.s32 $0x80;
	s5 =	sadd.s32 $0x2C00, s5  }
.LBB2_1:
0xc: {  	[tilespmem:s3], [sflag:$0x2] =	stream.linear.gather [hbm4b:s4+s3], $0x20, $0x38;
	[tilespmem:$0x2080] =	vst v63  }
0xd: {  	_ =	swait.ge [sflag:s7], $0x20  }
0xe: {  	[sflag:s7] =	ssyncset.done $0x0  }
0xf: {  	[sflag:s7] =	ssyncadd.s32 $0xFFFFFFE0  }
0x10: {  	v3 =	vld [tilespmem:$0x0];
	_ =	sdelay $0x4  }
0x11: {  	v4 =	vshll.u32 v3, $0x1  }
0x12: {  	v3 =	vand.u32 $0x7, v3;
	v4 =	vand.u32 $0xFFFFFFF0, v4  }
0x13: {  	v3 =	vor.u32 v3, v4  }
0x14: {  	v4 =	vperm.xlane v3, v0;
	_ =	sdelay $0x1  }
0x15: {  	v3 =	vperm.xlane v3, v2;
	v4 =	vadd.s32 v1, v4;
	_ =	sdelay $0x1  }
0x16: {  	v3 =	vadd.s32 v1, v3;
	_ =	sdelay $0x2  }
0x17: {  	[tilespmem:s8], [sflag:$0x1] =	stream.indirect_vreg.gather [hbm4b:s1+s3], $0x80, v4, vm0, $0xb8;
	[tilespmem:$0x2080] =	vst v63  }
0x18: {  	_ = 	snop  }
0x19: {  	[tilespmem:s9], [sflag:$0x1] =	stream.indirect_vreg.gather [hbm4b:s1+s3], $0x80, v3, vm0, $0xb8;
	[tilespmem:$0x2080] =	vst v63  }
0x1a: {  	v3 =	vld [tilespmem:$0x10];
	_ =	sdelay $0x4  }
0x1b: {  	v63 =	vshll.u32 v3, $0x1  }
0x1c: {  	v3 =	vand.u32 $0x7, v3;
	v4 =	vand.u32 $0xFFFFFFF0, v63  }
0x1d: {  	v3 =	vor.u32 v3, v4  }
0x1e: {  	v4 =	vperm.xlane v3, v0;
	_ =	sdelay $0x1  }
0x1f: {  	v3 =	vperm.xlane v3, v2;
	v4 =	vadd.s32 v1, v4;
	_ =	sdelay $0x1  }
0x20: {  	v3 =	vadd.s32 v1, v3;
	_ =	sdelay $0x2  }
0x21: {  	[tilespmem:s10], [sflag:$0x1] =	stream.indirect_vreg.gather [hbm4b:s1+s3], $0x80, v4, vm0, $0xb8;
	[tilespmem:$0x2080] =	vst v63  }
0x22: {  	_ = 	snop  }
0x23: {  	[tilespmem:s11], [sflag:$0x1] =	stream.indirect_vreg.gather [hbm4b:s1+s3], $0x80, v3, vm0, $0xb8;
	[tilespmem:$0x2080] =	vst v63  }
0x24: {  	_ =	swait.ge [sflag:s12], $0x2000  }
0x25: {  	p0 =	sne.s32 s6, $0x1;
	[sflag:s12] =	ssyncset.done $0x0  }
.Ltmp0:
0x26: {  	[sflag:s12] =	ssyncadd.s32 $0xFFFFE000;
	(pc) =	sbr.rel @p0 .LBB2_1-.Ltmp0, $4  }
0x27: {  	[hbm4b:s5+s3] =	stream.linear.scatter [tilespmem:s8], [sflag:$0x2], $0x2000, $0x38;
	[tilespmem:$0x2080] =	vst v63  }
0x28: {  	_ =	swait.ge [sflag:s7], $0x2000  }
0x29: {  	[sflag:s7] =	ssyncset.done $0x0  }
0x2a: {  	s6 =	sadd.s32 $0xFFFFFFFF, s6;
	[sflag:s7] =	ssyncadd.s32 $0xFFFFE000  }
0x2b: {  	_ =	sfence.sel $0x180000  }
0x2c: {  	[bflag:$0x0] =	sbarrier.arrive $0xFFFF  }
0x2d: {  	p0 =	sne.s32 s2, $0x0;
	_ =	strace $0x90000047  }
0x2e: {  	s0 =	sadd.s32 @!p0 $0x100000, s0;
	[bflag:$0x2] =	sbarrier.arrive $0xFFFF  }
0x2f: {  	[sflag:s0] =	ssyncadd.tile.s32 @!p0 $0x1;
	_ =	shalt  }
.Lfunc_end2:
_tile_overlayer_lowered:
.L_overlay_start_2:
0x30: {  	(tag) =	ssettag $0x2  }
0x31: {  	s0 =	rddreg [dreg:$0x0];
	s2 =	stileid.u32  }
0x32: {  	s1 =	rddreg [dreg:$0x1];
	p0 =	sne.s32 s2, $0x0  }
0x33: {  	s3 =	rddreg [dreg:$0x2];
	[bflag:$0x3] =	sbarrier.arrive $0xFFFF;
	s2 =	simm.s32 @!p0 $0x1C02  }
0x34: {  	[timem:s3], [sflag:s2] =	dma.local @!p0 [hbm:s0], s1  }
0x35: {  	s0 =	simm.s32 @!p0 $0x2  }
0x36: {  	_ =	swait.ge @!p0 [sflag:s0], s1  }
0x37: {  	s1 =	ssub.s32 @!p0 $0x0, s1;
	[sflag:s0] =	ssyncset.done @!p0 $0x0  }
0x38: {  	[sflag:s0] =	ssyncadd.s32 @!p0 s1  }
0x39: {  	[bflag:$0x3] =	sbarrier.arrive $0xFFFF  }
0x3a: {  	_ =	shalt  }

// kernel: kernel.9.cloned.1.call-start
scs
__scs_entry_jumppad:
0x0: {  	(pc) =	sbr.rel $0x88, $3  }
0x1: {  	(tag) =	ssettag $0x0;
	lr =	simm.s32 $0x1  }
0x2: {  	[smem:$0x3F96] =	sst lr;
	_ =	strace $0xD0000000  }
0x3: {  	_ = 	snop  }
0x4: {  	_ = 	snop  }
0x5: {  	_ = 	snop  }
0x6: {  	_ = 	snop  }
0x7: {  	_ = 	snop  }
__scs_overlays_trampoline_lowered:
0x8: {  	[smem:$0x3FA5] =	sst s0  }
0x9: {  	[smem:$0x3FA6] =	sst s1  }
0xa: {  	[smem:$0x3FA7] =	sst s2  }
0xb: {  	[smem:$0x3FA8] =	sst s3  }
0xc: {  	[smem:$0x3FA9] =	sst s4  }
0xd: {  	[smem:$0x3FAA] =	sst s5  }
0xe: {  	[smem:$0x3FAB] =	sst s6  }
0xf: {  	[smem:$0x3FAC] =	sst s7  }
0x10: {  	[smem:$0x3FAD] =	sst s8  }
0x11: {  	[smem:$0x3FAE] =	sst s9;
	s0 =	simm.s32 @!p0 $0x0  }
0x12: {  	s1 =	sld [smem:$0x3F94];
	s0 =	simm.s32 @p0 $0x1  }
0x13: {  	[smem:$0x3FAF] =	sst s0;
	s0 =	simm.s32 @!p1 $0x0  }
0x14: {  	s2 =	sld [smem:$0x3F93];
	s0 =	simm.s32 @p1 $0x1  }
0x15: {  	[smem:$0x3FB0] =	sst s0;
	s0 =	simm.s32 @!p2 $0x0  }
0x16: {  	s3 =	sld [smem:$0x3FDB];
	s0 =	simm.s32 @p2 $0x1  }
0x17: {  	s4 =	simm.s32 $0x1BF5;
	[smem:$0x3FB2] =	sst s0  }
0x18: {  	s0 =	sld [smem:$0x3F95];
	_ =	swait.ge [sflag:s4], $0x0  }
0x19: {  	s7 =	sld [smem:$0x3F96]  }
0x1a: {  	s8 =	sadd.s32 $0xFFFFE003, lr  }
0x1b: {  	s9 =	sadd.s32 $0xFFFFFEF7, lr;
	s5 =	simm.s32 $0xFFFFFFFF;
	p2 =	slt.u32 s8, $0xFFFFF086  }
0x1c: {  	p1 =	slt.u32 s9, $0xF7A;
	s5 =	simm.s32 @!p2 $0x0  }
0x1d: {  	s5 =	simm.s32 @p1 $0x1;
	p0 =	seq.s32 s7, s2  }
0x1e: {  	s7 =	smul.u32 @!p0 $0xF7A, s2;
	p2 =	seq.s32 @!p0 s5, $0x0  }
0x1f: {  	s9 =	smul.u32 $0xF7A, s1;
	s8 =	simm.s32 @!p0 $0x1BF5;
	p2 =	por !p2, p0  }
0x20: {  	[sflag:s8] =	ssyncset.s32 @!p0 $0xFFFFF086;
	s6 =	sadd.s32 @!p0 s3, s7;
	s7 =	simm.s32 @!p0 $0x108  }
0x21: {  	s3 =	sadd.s32 s3, s9;
	s6 =	sadd.s32 @!p0 $0x88, s6;
	s7 =	simm.s32 @p2 $0x1082  }
0x22: {  	[simem:s7], [sflag:s8] =	dma.local @!p0 [hbm:s6], $0xF7A  }
0x23: {  	s9 =	sor.u32 $0xD0000000, s2;
	s6 =	simm.s32 $0x108;
	_ =	swait.ge @!p0 [sflag:s8], $0x0  }
0x24: {  	s3 =	sadd.s32 $0x88, s3;
	s6 =	simm.s32 @!p1 $0x1082;
	[sflag:s4] =	ssyncset.s32 $0xFFFFF086  }
0x25: {  	[simem:s6], [sflag:s4] =	dma.local [hbm:s3], $0xF7A  }
0x26: {  	[smem:$0x3F96] =	sst s1;
	(tag) =	ssettag s2;
	_ =	strace s9  }
0x27: {  	s1 =	sld [smem:$0x3FA6]  }
0x28: {  	s2 =	sld [smem:$0x3FA7]  }
0x29: {  	s4 =	sld [smem:$0x3FA9]  }
0x2a: {  	p0 =	seq.s32 s5, $0x0;
	s5 =	sld [smem:$0x3FAA]  }
0x2b: {  	s6 =	sld [smem:$0x3FAB]  }
0x2c: {  	s7 =	sld [smem:$0x3FAC]  }
0x2d: {  	s3 =	simm.s32 $0x108;
	s8 =	sld [smem:$0x3FAD]  }
0x2e: {  	s3 =	simm.s32 @!p0 $0x1082;
	s9 =	sld [smem:$0x3FAE]  }
0x2f: {  	lr =	sadd.s32 s0, s3;
	s0 =	sld [smem:$0x3FA5]  }
0x30: {  	s3 =	sld [smem:$0x3FA8]  }
0x31: {  	[smem:$0x3FB1] =	sst s10  }
0x32: {  	s10 =	sld [smem:$0x3FAF];
	_ =	sdelay $0x3  }
0x33: {  	p0 =	seq.s32 s10, $0x1;
	s10 =	sld [smem:$0x3FB1];
	_ =	sdelay $0x3  }
0x34: {  	[smem:$0x3FB1] =	sst s10  }
0x35: {  	s10 =	sld [smem:$0x3FB0];
	_ =	sdelay $0x3  }
0x36: {  	p1 =	seq.s32 s10, $0x1;
	s10 =	sld [smem:$0x3FB1];
	_ =	sdelay $0x3  }
0x37: {  	[smem:$0x3FB1] =	sst s10  }
0x38: {  	s10 =	sld [smem:$0x3FB2]  }
0x39: {  	_ = 	snop;
	(pc) =	sbr.ind lr, $3  }
0x3a: {  	_ = 	snop  }
0x3b: {  	_ = 	snop  }
0x3c: {  	p2 =	seq.s32 s10, $0x1;
	s10 =	sld [smem:$0x3FB1]  }
0x3d: {  	_ =	shalt  }
0x3e: {  	_ =	shalt  }
0x3f: {  	_ =	shalt  }
0x40: {  	_ =	shalt  }
0x41: {  	_ =	shalt  }
0x42: {  	_ =	shalt  }
0x43: {  	_ =	shalt  }
0x44: {  	_ =	shalt  }
0x45: {  	_ =	shalt  }
0x46: {  	_ =	shalt  }
0x47: {  	_ =	shalt  }
0x48: {  	_ =	shalt  }
0x49: {  	_ =	shalt  }
0x4a: {  	_ =	shalt  }
0x4b: {  	_ =	shalt  }
0x4c: {  	_ =	shalt  }
0x4d: {  	_ =	shalt  }
0x4e: {  	_ =	shalt  }
0x4f: {  	_ =	shalt  }
0x50: {  	_ =	shalt  }
0x51: {  	_ =	shalt  }
0x52: {  	_ =	shalt  }
0x53: {  	_ =	shalt  }
0x54: {  	_ =	shalt  }
0x55: {  	_ =	shalt  }
0x56: {  	_ =	shalt  }
0x57: {  	_ =	shalt  }
0x58: {  	_ =	shalt  }
0x59: {  	_ =	shalt  }
0x5a: {  	_ =	shalt  }
0x5b: {  	_ =	shalt  }
0x5c: {  	_ =	shalt  }
0x5d: {  	_ =	shalt  }
0x5e: {  	_ =	shalt  }
0x5f: {  	_ =	shalt  }
0x60: {  	_ =	shalt  }
0x61: {  	_ =	shalt  }
0x62: {  	_ =	shalt  }
0x63: {  	_ =	shalt  }
0x64: {  	_ =	shalt  }
0x65: {  	_ =	shalt  }
0x66: {  	_ =	shalt  }
0x67: {  	_ =	shalt  }
0x68: {  	_ =	shalt  }
0x69: {  	_ =	shalt  }
0x6a: {  	_ =	shalt  }
0x6b: {  	_ =	shalt  }
0x6c: {  	_ =	shalt  }
0x6d: {  	_ =	shalt  }
0x6e: {  	_ =	shalt  }
0x6f: {  	_ =	shalt  }
0x70: {  	_ =	shalt  }
0x71: {  	_ =	shalt  }
0x72: {  	_ =	shalt  }
0x73: {  	_ =	shalt  }
0x74: {  	_ =	shalt  }
0x75: {  	_ =	shalt  }
0x76: {  	_ =	shalt  }
0x77: {  	_ =	shalt  }
0x78: {  	_ =	shalt  }
0x79: {  	_ =	shalt  }
0x7a: {  	_ =	shalt  }
0x7b: {  	_ =	shalt  }
0x7c: {  	_ =	shalt  }
0x7d: {  	_ =	shalt  }
0x7e: {  	_ =	shalt  }
0x7f: {  	_ =	shalt  }
0x80: {  	_ =	shalt  }
0x81: {  	_ =	shalt  }
0x82: {  	_ =	shalt  }
0x83: {  	_ =	shalt  }
0x84: {  	_ =	shalt  }
0x85: {  	_ =	shalt  }
0x86: {  	_ =	shalt  }
0x87: {  	_ =	shalt  }
.Lfunc_end0:
.L_simem_size_0:
called_computation.1_lowered:
.L_overlay_start_0:
0x88: {  	s2 =	sld [smem:$0x3FD9]  }
0x89: {  	s3 =	sld [smem:$0x3FFE];
	_ =	sdelay $0x1  }
0x8a: {  	s1 =	srdreg.scid  }
0x8b: {  	s0 =	sand.u32 $0x1, s1  }
0x8c: {  	s17 =	sshll.u32 s0, $0xA;
	s2 =	sadd.s32 s3, s2  }
0x8d: {  	s2 =	sadd.s32 s2, s17  }
0x8e: {  	[smem:$0x3FBD] =	sst s2  }
0x8f: {  	_ = 	snop  }
0x90: {  	s2 =	sld [smem:$0x3FBF]  }
0x91: {  	s18 =	sld [smem:$0x3FD0];
	(tm) =	ssettm $0x1  }
0x92: {  	s4 =	sld [smem:$0x3FFB];
	_ =	sdelay $0x3  }
0x93: {  	_ =	strace s4  }
0x94: {  	s4 =	sld [smem:$0x3FFC];
	_ =	sdelay $0x3  }
0x95: {  	_ =	strace s4  }
0x96: {  	s4 =	sld [smem:$0x3FFD];
	_ =	sdelay $0x3  }
0x97: {  	_ =	strace s4  }
0x98: {  	_ =	strace $0x8FFFFFFF  }
0x99: {  	s19 =	sld [smem:$0x3FDB];
	_ =	sdelay $0x1  }
0x9a: {  	s5 =	simm.s32 $_scs_section_size  }
0x9b: {  	s6 =	simm.s32 $_size__tile_overlayer_lowered;
	s7 =	simm.s32 $_tile_overlayer_lowered  }
0x9c: {  	s22 =	simm.s32 $0x1BFF;
	s21 =	sshll.u32 s7, $0x1;
	s4 =	sadd.s32 s5, s19  }
0x9d: {  	s8 =	simm.s32 $0x0;
	s20 =	sshll.u32 s6, $0x1;
	s6 =	sadd.s32 s21, s4  }
0x9e: {  	[timem:s8], [sflag:s22] =	dma.local [hbm:s6], s20  }
0x9f: {  	_ =	swait.ge [sflag:s22], s20  }
0xa0: {  	s5 =	ssub.s32 $0x0, s20;
	[sflag:s22] =	ssyncset.done $0x0  }
0xa1: {  	[sflag:s22] =	ssyncadd.s32 s5;
	_ =	sdelay $0x1  }
0xa2: {  	s23 =	simm.s32 $0x1B8B  }
0xa3: {  	_ =	swait.ge [sflag:s23], $0x1  }
0xa4: {  	[sflag:s23] =	ssyncset.done $0x0  }
0xa5: {  	s25 =	simm.s32 $0x1B8E;
	s24 =	sld [smem:$0x3FFE];
	[sflag:s23] =	ssyncadd.s32 $0xFFFFFFFF  }
0xa6: {  	s26 =	simm.s32 $execute0_lowered;
	[smem:$0x3FD2] =	sst s25  }
0xa7: {  	s6 =	sshll.u32 s26, $0x1;
	_ =	strace $0x80000049;
	[dreg:$0x1] =	wrdreg $0xFFFFFFFF  }
0xa8: {  	s28 =	simm.s32 $_size_execute0_lowered;
	s4 =	sadd.s32 s4, s6;
	[dreg:$0x0] =	wrdreg $0x0  }
0xa9: {  	s6 =	sshll.u32 s28, $0x1;
	[dreg:$0x2] =	wrdreg s4  }
0xaa: {  	[dreg:$0x3] =	wrdreg s6  }
0xab: {  	[dreg:$0x4] =	wrdreg $0xC0  }
0xac: {  	_ =	task [dreg:s8], $0x5FFFF  }
0xad: {  	[dreg:$0x1] =	wrdreg $0xFFFFFFFF  }
0xae: {  	[dreg:$0x0] =	wrdreg $0x60  }
0xaf: {  	[dreg:$0x2] =	wrdreg s24  }
0xb0: {  	[dreg:$0x3] =	wrdreg s2  }
0xb1: {  	[dreg:$0x4] =	wrdreg s18  }
0xb2: {  	[dreg:$0x5] =	wrdreg $0x9  }
0xb3: {  	_ =	task.clear_ibuf [dreg:s8], $0x6FFFF;
	_ =	strace $0x90000049  }
0xb4: {  	s29 =	simm.s32 $0x9;
	_ =	strace $0x8000004B  }
0xb5: {  	_ =	swait.ge [sflag:s29], $0x1  }
0xb6: {  	[sflag:s29] =	ssyncadd.s32 $0xFFFFFFFF  }
0xb7: {  	_ =	strace $0x9000004B  }
0xb8: {  	_ =	sfence  }
0xb9: {  	s30 =	sld [smem:$0x0];
	_ =	sdelay $0x2  }
0xba: {  	s31 =	sshll.u32 s1, $0xD;
	s1 =	sshrl.u32 s1, $0x2  }
0xbb: {  	s3 =	sand.u32 $0x4000, s31;
	s1 =	sadd.s32 s1, s30  }
0xbc: {  	s0 =	sor.u32 s3, s0;
	s1 =	sshll.u32 s1, $0x11  }
0xbd: {  	s0 =	sor.u32 s1, s0  }
0xbe: {  	s0 =	sadd.s32 $0x8F2B, s0  }
0xbf: {  	[sflag:s0] =	ssyncadd.remote.s32 $0x1  }
0xc0: {  	_ =	sfence.sel $0xFFFF  }
0xc1: {  	[dreg:$0x0] =	wrdreg $0xFFFFFFFF;
	(pc) =	sbr.abs _section_cstart, $3  }
0xc2: {  	[dreg:$0x1] =	wrdreg $0xFFFFFFFF  }
0xc3: {  	_ =	task.clear_ibuf [dreg:s8], $0x2FFFF;
	_ =	strace $0x9FFFFFFF  }
0xc4: {  	(tm) =	ssettm $0x7FFFFFFF  }
0xc5: {  	_ =	shalt  }
tec
execute0_lowered:
.L_overlay_start_1:
0x0: {  	(tag) =	ssettag $0x1  }
0x1: {  	s4 =	rddreg [dreg:$0x0]  }
0x2: {  	s5 =	rddreg [dreg:$0x1]  }
0x3: {  	s2 =	rddreg [dreg:$0x2];
	s3 =	srdreg.scid  }
0x4: {  	s0 =	rddreg [dreg:$0x3];
	s1 =	stileid.u32  }
0x5: {  	s11 =	simm.s32 $0x2080;
	s12 =	simm.s32 $0x880;
	s13 =	simm.s32 $0x1080  }
0x6: {  	s14 =	simm.s32 $0x1880;
	s15 =	simm.s32 $0x1;
	s16 =	simm.s32 $0x20  }
0x7: {  	s6 =	sand.u32 $0x1, s3;
	s3 =	simm.s32 $0x0;
	s7 =	sshll.u32 s1, $0x6  }
0x8: {  	s8 =	sshll.u32 s6, $0x5;
	[smem:$0x7FF] =	sst s3;
	s6 =	ssub.s32 $0x2, s6  }
0x9: {  	s7 =	sor.u32 s8, s7;
	_ =	strace $0x8000004A;
	s9 =	sshrl.u32 s6, $0x1  }
0xa: {  	s8 =	sshll.u32 s7, $0x5;
	s7 =	sshrl.u32 s7, $0x3;
	s9 =	ssub.s32 s6, s9  }
0xb: {  	v2 =	vlaneseq.u32;
	s8 =	sadd.s32 s8, s4;
	s10 =	sadd.s32 s7, s4;
	s4 =	sadd.s32 $0x2400, s4  }
0xc: {  	vm0 =	vmmov $0xffff;
	v1 =	vshrl.u32 v2, $0x3;
	s5 =	sadd.s32 s5, s7;
	s6 =	sadd.s32 $0x2E00, s8;
	s7 =	sadd.s32 $0xAE00, s10  }
0xd: {  	v0 =	vand.u32 $0x7, v2;
	v2 =	vor.u32 $0x8, v2;
	v1 =	vmul.u32 $0x8, v1;
	s8 =	smax.u32 s9, $0x1;
	s9 =	simm.s32 $0x2;
	s10 =	simm.s32 $0x80  }
.LBB2_1:
0xe: {  	[tilespmem:s3], [sflag:$0x2] =	stream.linear.gather [hbm4b:s5+s3], $0x20, $0x38;
	[tilespmem:$0x2100] =	vst v63  }
0xf: {  	_ =	swait.ge [sflag:s9], $0x20  }
0x10: {  	[sflag:s9] =	ssyncset.done $0x0  }
0x11: {  	[sflag:s9] =	ssyncadd.s32 $0xFFFFFFE0  }
0x12: {  	[tilespmem:s10], [sflag:$0x2] =	stream.linear.gather [hbm4b:s6+s3], $0x2000, $0x38;
	[tilespmem:$0x2100] =	vst v63  }
0x13: {  	_ =	swait.ge [sflag:s9], $0x2000  }
0x14: {  	[sflag:s9] =	ssyncset.done $0x0  }
0x15: {  	[sflag:s9] =	ssyncadd.s32 $0xFFFFE000  }
0x16: {  	[tilespmem:s11], [sflag:$0x2] =	stream.linear.gather [hbm4b:s7+s3], $0x20, $0x38;
	[tilespmem:$0x2100] =	vst v63  }
0x17: {  	_ =	swait.ge [sflag:s9], $0x20  }
0x18: {  	[sflag:s9] =	ssyncset.done $0x0  }
0x19: {  	[sflag:s9] =	ssyncadd.s32 $0xFFFFFFE0  }
0x1a: {  	v3 =	vld [tilespmem:$0x0];
	_ =	sdelay $0x4  }
0x1b: {  	v4 =	vshll.u32 v3, $0x1  }
0x1c: {  	v3 =	vand.u32 $0x7, v3;
	v4 =	vand.u32 $0xFFFFFFF0, v4  }
0x1d: {  	v3 =	vor.u32 v3, v4  }
0x1e: {  	v4 =	vperm.xlane v3, v0;
	_ =	sdelay $0x1  }
0x1f: {  	v3 =	vperm.xlane v3, v2;
	v4 =	vadd.s32 v1, v4;
	_ =	sdelay $0x1  }
0x20: {  	v3 =	vadd.s32 v1, v3;
	_ =	sdelay $0x2  }
0x21: {  	[hbm4b:s2+s3] =	stream.indirect_vreg.scatter [tilespmem:s10], [sflag:$0x1], $0x80, v4, vm0, $0xb8;
	[tilespmem:$0x2100] =	vst v63  }
0x22: {  	_ = 	snop  }
0x23: {  	[hbm4b:s2+s3] =	stream.indirect_vreg.scatter [tilespmem:s12], [sflag:$0x1], $0x80, v3, vm0, $0xb8;
	[tilespmem:$0x2100] =	vst v63  }
0x24: {  	v3 =	vld [tilespmem:$0x10];
	_ =	sdelay $0x4  }
0x25: {  	v63 =	vshll.u32 v3, $0x1  }
0x26: {  	v3 =	vand.u32 $0x7, v3;
	v4 =	vand.u32 $0xFFFFFFF0, v63  }
0x27: {  	v3 =	vor.u32 v3, v4  }
0x28: {  	v4 =	vperm.xlane v3, v0;
	_ =	sdelay $0x1  }
0x29: {  	v3 =	vperm.xlane v3, v2;
	v4 =	vadd.s32 v1, v4;
	_ =	sdelay $0x1  }
0x2a: {  	v3 =	vadd.s32 v1, v3;
	_ =	sdelay $0x2  }
0x2b: {  	[hbm4b:s2+s3] =	stream.indirect_vreg.scatter [tilespmem:s13], [sflag:$0x1], $0x80, v4, vm0, $0xb8;
	[tilespmem:$0x2100] =	vst v63  }
0x2c: {  	_ = 	snop  }
0x2d: {  	[hbm4b:s2+s3] =	stream.indirect_vreg.scatter [tilespmem:s14], [sflag:$0x1], $0x80, v3, vm0, $0xb8;
	[tilespmem:$0x2100] =	vst v63  }
0x2e: {  	_ =	swait.ge [sflag:s15], $0x2000  }
0x2f: {  	p0 =	sne.s32 s8, $0x1;
	[sflag:s15] =	ssyncset.done $0x0  }
.Ltmp0:
0x30: {  	[sflag:s15] =	ssyncadd.s32 $0xFFFFE000;
	(pc) =	sbr.rel @p0 .LBB2_1-.Ltmp0, $4  }
0x31: {  	[hbm4b:s4+s16] =	stream.indirect.scatter [tilespmem:s11], [sflag:$0x1], $0x1, s3, s16, $0xb8;
	[tilespmem:$0x2100] =	vst v63  }
0x32: {  	_ =	swait.ge [sflag:s15], $0x20  }
0x33: {  	[sflag:s15] =	ssyncset.done $0x0  }
0x34: {  	s8 =	sadd.s32 $0xFFFFFFFF, s8;
	[sflag:s15] =	ssyncadd.s32 $0xFFFFFFE0  }
0x35: {  	_ =	sfence.sel $0x180000  }
0x36: {  	[bflag:$0x0] =	sbarrier.arrive $0xFFFF  }
0x37: {  	p0 =	sne.s32 s1, $0x0;
	_ =	strace $0x9000004A  }
0x38: {  	s0 =	sadd.s32 @!p0 $0x100000, s0;
	[bflag:$0x2] =	sbarrier.arrive $0xFFFF  }
0x39: {  	[sflag:s0] =	ssyncadd.tile.s32 @!p0 $0x1;
	_ =	shalt  }
.Lfunc_end2:
_tile_overlayer_lowered:
.L_overlay_start_2:
0x3a: {  	(tag) =	ssettag $0x2  }
0x3b: {  	s0 =	rddreg [dreg:$0x0];
	s2 =	stileid.u32  }
0x3c: {  	s1 =	rddreg [dreg:$0x1];
	p0 =	sne.s32 s2, $0x0  }
0x3d: {  	s3 =	rddreg [dreg:$0x2];
	[bflag:$0x3] =	sbarrier.arrive $0xFFFF;
	s2 =	simm.s32 @!p0 $0x1C02  }
0x3e: {  	[timem:s3], [sflag:s2] =	dma.local @!p0 [hbm:s0], s1  }
0x3f: {  	s0 =	simm.s32 @!p0 $0x2  }
0x40: {  	_ =	swait.ge @!p0 [sflag:s0], s1  }
0x41: {  	s1 =	ssub.s32 @!p0 $0x0, s1;
	[sflag:s0] =	ssyncset.done @!p0 $0x0  }
0x42: {  	[sflag:s0] =	ssyncadd.s32 @!p0 s1  }
0x43: {  	[bflag:$0x3] =	sbarrier.arrive $0xFFFF  }
0x44: {  	_ =	shalt  }

</sc_bundles>
